<compile_context>
chip_gen: v7x
topology: tpu7x:2x2x1
jax: 0.10.2.dev20260603
libtpu: 0.0.44.dev20260713+nightly
codegen_flags: <defaults>
</compile_context>

<pallas_src>
import functools

import jax
import jax.numpy as jnp
from jax import lax
from jax.experimental import pallas as pl
from jax.experimental.pallas import tpu as pltpu
from jax.experimental.pallas import tpu_sc as plsc

EMB_DIM = 64
HIDDEN = 128
LANES = 16


def _repack_body(a1_ref, a2_ref, b1_ref, b2_ref, sel_ref, outa_ref, outb_ref):
    sel = sel_ref[...]

    def t(lo_ref, hi_ref):
        stacked = jnp.concatenate([lo_ref[...], hi_ref[...]], axis=0)
        return lax.dot_general(stacked, sel, (((0,), (0,)), ((), ())),
                               preferred_element_type=jnp.float32)

    outa_ref[...] = t(a1_ref, a2_ref)
    outb_ref[...] = t(b1_ref, b2_ref)


_RC = 4608


@functools.lru_cache(maxsize=None)
def _make_repack(V: int, H: int):
    hb = H // _RC
    spec_lo = pl.BlockSpec((EMB_DIM, _RC), lambda i: (0, i))
    spec_hi = pl.BlockSpec((EMB_DIM, _RC), lambda i: (0, i + hb))
    out_spec = pl.BlockSpec((_RC, 2 * EMB_DIM), lambda i: (i, 0))
    out_ty = jax.ShapeDtypeStruct((H, 2 * EMB_DIM), jnp.float32)
    return pl.pallas_call(
        _repack_body,
        compiler_params=pltpu.CompilerParams(
            dimension_semantics=("parallel",)),
        grid_spec=pl.GridSpec(
            grid=(hb,),
            in_specs=[
                spec_lo, spec_hi,
                pl.BlockSpec((EMB_DIM, _RC), lambda i: (0, i)),
                pl.BlockSpec((EMB_DIM, _RC), lambda i: (0, i + hb)),
                pl.BlockSpec((2 * EMB_DIM, 2 * EMB_DIM), lambda i: (0, 0)),
            ],
            out_specs=[out_spec,
                       pl.BlockSpec((_RC, 2 * EMB_DIM), lambda i: (i, 0))],
        ),
        out_shape=[out_ty, out_ty],
    )


def _split_point(V: int) -> int:
    H = ((V + 1) // 2 + _RC - 1) // _RC * _RC
    assert 2 * H <= _RC * ((V + _RC - 1) // _RC), (V, H)
    return H


def _repack2(ta_t, tb_t):
    V = ta_t.shape[1]
    H = _split_point(V)
    sel = jnp.eye(2 * EMB_DIM, dtype=jnp.float32)
    return _make_repack(V, H)(ta_t, ta_t, tb_t, tb_t, sel)


@functools.lru_cache(maxsize=None)
def _make_sc_gather(B: int, H: int):
    info = plsc.get_sparse_core_info()
    NC, NS = info.num_cores, info.num_subcores
    NW = NC * NS
    b_per_w = B // NW
    CH = 256
    n_ch = b_per_w // CH
    assert B % (CH * NW) == 0
    D2 = 2 * EMB_DIM

    mesh = plsc.VectorSubcoreMesh(core_axis_name="c", subcore_axis_name="s")

    @functools.partial(
        pl.kernel,
        mesh=mesh,
        out_type=[
            jax.ShapeDtypeStruct((B, D2), jnp.float32),
            jax.ShapeDtypeStruct((B, D2), jnp.float32),
        ],
        scratch_types=[
            pltpu.VMEM((b_per_w,), jnp.int32),
            pltpu.VMEM((b_per_w,), jnp.int32),
            pltpu.VMEM((CH, D2), jnp.float32),
            pltpu.VMEM((CH, D2), jnp.float32),
            pltpu.SemaphoreType.DMA,
            pltpu.SemaphoreType.DMA,
        ],
    )
    def gather_k(dvp_hbm, ovp_hbm, pidx0_hbm, pidx1_hbm, dv_out, ov_out,
                 idx0_v, idx1_v, rows0_v, rows1_v, sem0, sem1):
        wid = lax.axis_index("s") * NC + lax.axis_index("c")
        base = wid * b_per_w
        pltpu.sync_copy(pidx0_hbm.at[pl.ds(base, b_per_w)], idx0_v)
        pltpu.sync_copy(pidx1_hbm.at[pl.ds(base, b_per_w)], idx1_v)

        def fold(v, carry):
            sl = pl.ds(v * LANES, LANES)
            a = idx0_v[sl]
            idx0_v[sl] = jnp.where(a < H, a, a - H)
            b = idx1_v[sl]
            idx1_v[sl] = jnp.where(b < H, b, b - H)
            return carry

        lax.fori_loop(0, b_per_w // LANES, fold, 0)

        def chunk(c, carry):
            off = c * CH
            c0 = pltpu.async_copy(
                dvp_hbm.at[idx0_v.at[pl.ds(off, CH)]], rows0_v, sem0)
            c1 = pltpu.async_copy(
                ovp_hbm.at[idx1_v.at[pl.ds(off, CH)]], rows1_v, sem1)
            c0.wait()
            c1.wait()
            cbase = base + off
            pltpu.sync_copy(rows0_v, dv_out.at[pl.ds(cbase, CH)])
            pltpu.sync_copy(rows1_v, ov_out.at[pl.ds(cbase, CH)])
            return carry

        lax.fori_loop(0, n_ch, chunk, 0)

    return gather_k


def _mlp_body(dvh_ref, ovh_ref, p0_ref, p1_ref, g_ref, bt_ref, w1_ref, b1_ref,
              w2_ref, b2_ref, w3_ref, b3_ref, out_ref):
    dvh = dvh_ref[...]
    ovh = ovh_ref[...]
    p0 = p0_ref[...] == 1
    p1 = p1_ref[...] == 1
    dv = jnp.where(p0, dvh[:, EMB_DIM:], dvh[:, :EMB_DIM])
    ov = jnp.where(p1, ovh[:, EMB_DIM:], ovh[:, :EMB_DIM])
    n = 2 * EMB_DIM
    mean = (jnp.sum(dv, axis=1, keepdims=True)
            + jnp.sum(ov, axis=1, keepdims=True)) / n
    dvc = dv - mean
    ovc = ov - mean
    var = (jnp.sum(dvc * dvc, axis=1, keepdims=True)
           + jnp.sum(ovc * ovc, axis=1, keepdims=True)) / n
    inv = lax.rsqrt(var + 1e-5)
    g = g_ref[...]
    bt = bt_ref[...]
    hd = dvc * inv * g[:, :EMB_DIM] + bt[:, :EMB_DIM]
    ho = ovc * inv * g[:, EMB_DIM:] + bt[:, EMB_DIM:]
    w1 = w1_ref[...]
    h1 = (jnp.dot(hd, w1[:EMB_DIM, :], preferred_element_type=jnp.float32)
          + jnp.dot(ho, w1[EMB_DIM:, :], preferred_element_type=jnp.float32)
          + b1_ref[...])
    h1 = jnp.maximum(h1, 0.0)
    h2 = jnp.dot(h1, w2_ref[...], preferred_element_type=jnp.float32) + b2_ref[...]
    h2 = jnp.maximum(h2, 0.0)
    y = jnp.dot(h2, w3_ref[...], preferred_element_type=jnp.float32) + b3_ref[...]
    out_ref[...] = jnp.transpose(jax.nn.sigmoid(y), (1, 0))


@functools.lru_cache(maxsize=None)
def _make_tc_mlp(B: int, BB: int):
    full = lambda i: (0, 0)
    grid_spec = pl.GridSpec(
        grid=(B // BB,),
        in_specs=[
            pl.BlockSpec((BB, 2 * EMB_DIM), lambda i: (i, 0)),
            pl.BlockSpec((BB, 2 * EMB_DIM), lambda i: (i, 0)),
            pl.BlockSpec((BB, 1), lambda i: (i, 0)),
            pl.BlockSpec((BB, 1), lambda i: (i, 0)),
            pl.BlockSpec((1, 2 * EMB_DIM), full),
            pl.BlockSpec((1, 2 * EMB_DIM), full),
            pl.BlockSpec((2 * EMB_DIM, HIDDEN), full),
            pl.BlockSpec((1, HIDDEN), full),
            pl.BlockSpec((HIDDEN, HIDDEN // 2), full),
            pl.BlockSpec((1, HIDDEN // 2), full),
            pl.BlockSpec((HIDDEN // 2, 2), full),
            pl.BlockSpec((1, 2), full),
        ],
        out_specs=pl.BlockSpec((2, BB), lambda i: (0, i)),
    )
    return pl.pallas_call(
        _mlp_body,
        grid_spec=grid_spec,
        out_shape=jax.ShapeDtypeStruct((2, B), jnp.float32),
    )


def kernel(x_idx, dv_table, ov_table, ln_gamma, ln_beta, W1, b1, W2, b2, W3, b3):
    B = x_idx.shape[0]
    idx0 = x_idx[:, 0].astype(jnp.int32)
    idx1 = x_idx[:, 1].astype(jnp.int32)
    H = _split_point(dv_table.shape[0])
    dvp, ovp = _repack2(dv_table.T, ov_table.T)
    dvh, ovh = _make_sc_gather(B, H)(dvp, ovp, idx0, idx1)
    mlp = _make_tc_mlp(B, 8192)
    out_t = mlp(dvh, ovh,
                (idx0 >= H).astype(jnp.int32).reshape(-1, 1),
                (idx1 >= H).astype(jnp.int32).reshape(-1, 1),
                ln_gamma.reshape(1, -1), ln_beta.reshape(1, -1),
                W1, b1.reshape(1, -1), W2, b2.reshape(1, -1),
                W3, b3.reshape(1, -1))
    return out_t.T

# --- scband reference (transcript-rebuilt; emitter-appended) ---
"""Pipeline reference for scband-cat-embed-regressor-2130303779396 (READ-ONLY COPY).

The authoritative reference and input builder live on the scoring server;
editing this copy changes nothing except your own understanding.
"""

import jax, jax.numpy as jnp
import numpy as np

DV_VOCAB = 1000000
OV_VOCAB = 1000000
EMB_DIM = 64
HIDDEN = 128
BATCH = 16384

def setup_inputs(seed: int = 0) -> dict:
    key = jax.random.key(seed)
    ks = jax.random.split(key, 12)
    x_idx = jax.random.randint(ks[0], (BATCH, 2), 0, DV_VOCAB, dtype=jnp.int64) if jax.config.jax_enable_x64 else jax.random.randint(ks[0], (BATCH, 2), 0, DV_VOCAB, dtype=jnp.int32)
    dv_table = jax.random.normal(ks[1], (DV_VOCAB, EMB_DIM), dtype=jnp.float32) * 0.02
    ov_table = jax.random.normal(ks[2], (OV_VOCAB, EMB_DIM), dtype=jnp.float32) * 0.02
    ln_gamma = jnp.ones((EMB_DIM * 2,), dtype=jnp.float32)
    ln_beta = jnp.zeros((EMB_DIM * 2,), dtype=jnp.float32)
    W1 = jax.random.normal(ks[3], (EMB_DIM * 2, HIDDEN), dtype=jnp.float32) * (1.0 / np.sqrt(EMB_DIM * 2))
    b1 = jnp.zeros((HIDDEN,), dtype=jnp.float32)
    W2 = jax.random.normal(ks[4], (HIDDEN, HIDDEN // 2), dtype=jnp.float32) * (1.0 / np.sqrt(HIDDEN))
    b2 = jnp.zeros((HIDDEN // 2,), dtype=jnp.float32)
    W3 = jax.random.normal(ks[5], (HIDDEN // 2, 2), dtype=jnp.float32) * (1.0 / np.sqrt(HIDDEN // 2))
    b3 = jnp.zeros((2,), dtype=jnp.float32)
    return {"x_idx": x_idx, "dv_table": dv_table, "ov_table": ov_table,
            "ln_gamma": ln_gamma, "ln_beta": ln_beta,
            "W1": W1, "b1": b1, "W2": W2, "b2": b2, "W3": W3, "b3": b3}

def reference(x_idx, dv_table, ov_table, ln_gamma, ln_beta, W1, b1, W2, b2, W3, b3):
    # embedding lookups (gather)
    dv = jnp.take(dv_table, x_idx[:, 0], axis=0)
    ov = jnp.take(ov_table, x_idx[:, 1], axis=0)
    h = jnp.concatenate([dv, ov], axis=-1)
    # LayerNorm (eps=1e-5, matching torch default)
    mean = jnp.mean(h, axis=-1, keepdims=True)
    var = jnp.mean((h - mean) ** 2, axis=-1, keepdims=True)
    h = (h - mean) / jnp.sqrt(var + 1e-5) * ln_gamma + ln_beta
    # MLP (dropout inactive in eval mode)
    h = jnp.maximum(h @ W1 + b1, 0.0)
    h = jnp.maximum(h @ W2 + b2, 0.0)
    y = h @ W3 + b3
    return jax.nn.sigmoid(y)

if __name__ == "__main__":
    import jax
    _d = setup_inputs()
    print(jax.jit(kernel)(*tuple(_d.values())))

</pallas_src>

<mosaic_0001>
#map = affine_map<(d0, d1) -> (0, 0)>
#map1 = affine_map<(d0, d1) -> (0)>
module attributes {stable_mosaic.version = 14 : i64} {
  func.func @gather_k(%arg0: i32, %arg1: i32, %arg2: memref<502272x128xf32, #tpu.memory_space<hbm>>, %arg3: memref<502272x128xf32, #tpu.memory_space<hbm>>, %arg4: memref<16384xi32, #tpu.memory_space<hbm>>, %arg5: memref<16384xi32, #tpu.memory_space<hbm>>, %arg6: memref<16384x128xf32, #tpu.memory_space<hbm>>, %arg7: memref<16384x128xf32, #tpu.memory_space<hbm>>, %arg8: memref<512xi32, #tpu.memory_space<vmem>>, %arg9: memref<512xi32, #tpu.memory_space<vmem>>, %arg10: memref<256x128xf32, #tpu.memory_space<vmem>>, %arg11: memref<256x128xf32, #tpu.memory_space<vmem>>, %arg12: memref<!tpu.dma_semaphore, #tpu.memory_space<semaphore_mem>>, %arg13: memref<!tpu.dma_semaphore, #tpu.memory_space<semaphore_mem>>) attributes {dimension_semantics = [#tpu.dimension_semantics<core_parallel>, #tpu.dimension_semantics<subcore_parallel>], iteration_bounds = array<i64: 2, 16>, scalar_prefetch = 0 : i64, scratch_operands = 6 : i64, tpu.core_type = #tpu.core_type<sc_vector_subcore>, window_params = [{transform_indices = #map}, {transform_indices = #map}, {transform_indices = #map1}, {transform_indices = #map1}, {transform_indices = #map}, {transform_indices = #map}]} {
    %mul3A = arith.constant 2 : i32
    %mul3A_0 = arith.muli %arg1, %mul3A : i32
    %add3A = arith.addi %mul3A_0, %arg0 : i32
    %mul3A_1 = arith.constant 512 : i32
    %mul3A_2 = arith.muli %add3A, %mul3A_1 : i32
    "tpu.region"() ({
      %run_scoped3A = tpu.sem_alloc : memref<!tpu.dma_semaphore, #tpu.memory_space<semaphore_mem>>
      %dma_start3A = tpu.memref_slice %arg4[%mul3A_2] : memref<16384xi32, #tpu.memory_space<hbm>> -> memref<512xi32, #tpu.memory_space<hbm>>
      %dma_start3A_14 = tpu.memref_slice %arg4[%mul3A_2] : memref<16384xi32, #tpu.memory_space<hbm>> -> memref<512xi32, #tpu.memory_space<hbm>>
      tpu.enqueue_dma source(%dma_start3A_14 : memref<512xi32, #tpu.memory_space<hbm>>) target(%arg8 : memref<512xi32, #tpu.memory_space<vmem>>) target_semaphore(%run_scoped3A : memref<!tpu.dma_semaphore, #tpu.memory_space<semaphore_mem>>)
      %dma_wait3A = tpu.memref_slice %arg4[%mul3A_2] : memref<16384xi32, #tpu.memory_space<hbm>> -> memref<512xi32, #tpu.memory_space<hbm>>
      %dma_wait3A_15 = tpu.memref_slice %arg4[%mul3A_2] : memref<16384xi32, #tpu.memory_space<hbm>> -> memref<512xi32, #tpu.memory_space<hbm>>
      tpu.wait_dma2 semaphore(%run_scoped3A : memref<!tpu.dma_semaphore, #tpu.memory_space<semaphore_mem>>) src(%dma_wait3A_15 : memref<512xi32, #tpu.memory_space<hbm>>) dst(%arg8 : memref<512xi32, #tpu.memory_space<vmem>>)
      tpu.yield
    }) : () -> ()
    "tpu.region"() ({
      %run_scoped3A = tpu.sem_alloc : memref<!tpu.dma_semaphore, #tpu.memory_space<semaphore_mem>>
      %dma_start3A = tpu.memref_slice %arg5[%mul3A_2] : memref<16384xi32, #tpu.memory_space<hbm>> -> memref<512xi32, #tpu.memory_space<hbm>>
      %dma_start3A_14 = tpu.memref_slice %arg5[%mul3A_2] : memref<16384xi32, #tpu.memory_space<hbm>> -> memref<512xi32, #tpu.memory_space<hbm>>
      tpu.enqueue_dma source(%dma_start3A_14 : memref<512xi32, #tpu.memory_space<hbm>>) target(%arg9 : memref<512xi32, #tpu.memory_space<vmem>>) target_semaphore(%run_scoped3A : memref<!tpu.dma_semaphore, #tpu.memory_space<semaphore_mem>>)
      %dma_wait3A = tpu.memref_slice %arg5[%mul3A_2] : memref<16384xi32, #tpu.memory_space<hbm>> -> memref<512xi32, #tpu.memory_space<hbm>>
      %dma_wait3A_15 = tpu.memref_slice %arg5[%mul3A_2] : memref<16384xi32, #tpu.memory_space<hbm>> -> memref<512xi32, #tpu.memory_space<hbm>>
      tpu.wait_dma2 semaphore(%run_scoped3A : memref<!tpu.dma_semaphore, #tpu.memory_space<semaphore_mem>>) src(%dma_wait3A_15 : memref<512xi32, #tpu.memory_space<hbm>>) dst(%arg9 : memref<512xi32, #tpu.memory_space<vmem>>)
      tpu.yield
    }) : () -> ()
    %scan3A = arith.constant 0 : i32
    %scan3A_3 = arith.constant 0 : i32
    %scan3A_4 = arith.constant 32 : i32
    %scan3A_5 = arith.addi %scan3A_3, %scan3A_4 : i32
    %scan3A_6 = arith.constant 1 : i32
    scf.for %scan3A_14 = %scan3A_3 to %scan3A_5 step %scan3A_6  : i32 {
      %mul3A_15 = arith.constant 16 : i32
      %mul3A_16 = arith.muli %scan3A_14, %mul3A_15 : i32
      %get3A = arith.index_cast %mul3A_16 : i32 to index
      %get3A_17 = tpu.vector_load %arg8[%get3A] {strides = array<i32>} : memref<512xi32, #tpu.memory_space<vmem>>, vector<16xi32>,
      %get3A_18 = vector.shape_cast %get3A_17 : vector<16xi32> to vector<16xi32>
      %lt3A = arith.constant 502272 : i32
      %lt3A_19 = vector.broadcast %lt3A : i32 to vector<16xi32>
      %lt3A_20 = arith.cmpi slt, %get3A_18, %lt3A_19 : vector<16xi32>
      %sub3A = arith.constant 502272 : i32
      %sub3A_21 = vector.broadcast %sub3A : i32 to vector<16xi32>
      %sub3A_22 = arith.subi %get3A_18, %sub3A_21 : vector<16xi32>
      %select_n3A = arith.select %lt3A_20, %get3A_18, %sub3A_22 : vector<16xi1>, vector<16xi32>
      %swap3A = arith.index_cast %mul3A_16 : i32 to index
      %swap3A_23 = tpu.vector_load %arg8[%swap3A] {strides = array<i32>} : memref<512xi32, #tpu.memory_space<vmem>>, vector<16xi32>,
      %swap3A_24 = vector.shape_cast %swap3A_23 : vector<16xi32> to vector<16xi32>
      %swap3A_25 = vector.shape_cast %select_n3A : vector<16xi32> to vector<16xi32>
      tpu.vector_store %arg8[%swap3A], %swap3A_25 {strides = array<i32>} : memref<512xi32, #tpu.memory_space<vmem>>, vector<16xi32>,
      %get3A_26 = arith.index_cast %mul3A_16 : i32 to index
      %get3A_27 = tpu.vector_load %arg9[%get3A_26] {strides = array<i32>} : memref<512xi32, #tpu.memory_space<vmem>>, vector<16xi32>,
      %get3A_28 = vector.shape_cast %get3A_27 : vector<16xi32> to vector<16xi32>
      %lt3A_29 = arith.constant 502272 : i32
      %lt3A_30 = vector.broadcast %lt3A_29 : i32 to vector<16xi32>
      %lt3A_31 = arith.cmpi slt, %get3A_28, %lt3A_30 : vector<16xi32>
      %sub3A_32 = arith.constant 502272 : i32
      %sub3A_33 = vector.broadcast %sub3A_32 : i32 to vector<16xi32>
      %sub3A_34 = arith.subi %get3A_28, %sub3A_33 : vector<16xi32>
      %select_n3A_35 = arith.select %lt3A_31, %get3A_28, %sub3A_34 : vector<16xi1>, vector<16xi32>
      %swap3A_36 = arith.index_cast %mul3A_16 : i32 to index
      %swap3A_37 = tpu.vector_load %arg9[%swap3A_36] {strides = array<i32>} : memref<512xi32, #tpu.memory_space<vmem>>, vector<16xi32>,
      %swap3A_38 = vector.shape_cast %swap3A_37 : vector<16xi32> to vector<16xi32>
      %swap3A_39 = vector.shape_cast %select_n3A_35 : vector<16xi32> to vector<16xi32>
      tpu.vector_store %arg9[%swap3A_36], %swap3A_39 {strides = array<i32>} : memref<512xi32, #tpu.memory_space<vmem>>, vector<16xi32>,
    }
    %scan3A_7 = arith.constant 32 : i32
    %scan3A_8 = arith.constant 0 : i32
    %scan3A_9 = arith.constant 0 : i32
    %scan3A_10 = arith.constant 2 : i32
    %scan3A_11 = arith.addi %scan3A_9, %scan3A_10 : i32
    %scan3A_12 = arith.constant 1 : i32
    scf.for %scan3A_14 = %scan3A_9 to %scan3A_11 step %scan3A_12  : i32 {
      %mul3A_15 = arith.constant 256 : i32
      %mul3A_16 = arith.muli %scan3A_14, %mul3A_15 : i32
      %dma_start3A = tpu.memref_slice %arg8[%mul3A_16] : memref<512xi32, #tpu.memory_space<vmem>> -> memref<256xi32, #tpu.memory_space<vmem>>
      %dma_start3A_17 = arith.constant 0 : i32
      %dma_start3A_18 = arith.constant 0 : i32
      %dma_start3A_19 = tpu.memref_slice %arg2[%dma_start3A_17, %dma_start3A_18] : memref<502272x128xf32, #tpu.memory_space<hbm>> -> memref<502272x128xf32, #tpu.memory_space<hbm>>
      tpu.enqueue_indirect_dma source(%dma_start3A_19 : memref<502272x128xf32, #tpu.memory_space<hbm>>) target(%arg10 : memref<256x128xf32, #tpu.memory_space<vmem>>) offsets(%dma_start3A : memref<256xi32, #tpu.memory_space<vmem>>) semaphore(%arg12 : memref<!tpu.dma_semaphore, #tpu.memory_space<semaphore_mem>>)
      %dma_start3A_20 = tpu.memref_slice %arg9[%mul3A_16] : memref<512xi32, #tpu.memory_space<vmem>> -> memref<256xi32, #tpu.memory_space<vmem>>
      %dma_start3A_21 = arith.constant 0 : i32
      %dma_start3A_22 = arith.constant 0 : i32
      %dma_start3A_23 = tpu.memref_slice %arg3[%dma_start3A_21, %dma_start3A_22] : memref<502272x128xf32, #tpu.memory_space<hbm>> -> memref<502272x128xf32, #tpu.memory_space<hbm>>
      tpu.enqueue_indirect_dma source(%dma_start3A_23 : memref<502272x128xf32, #tpu.memory_space<hbm>>) target(%arg11 : memref<256x128xf32, #tpu.memory_space<vmem>>) offsets(%dma_start3A_20 : memref<256xi32, #tpu.memory_space<vmem>>) semaphore(%arg13 : memref<!tpu.dma_semaphore, #tpu.memory_space<semaphore_mem>>)
      %dma_wait3A = tpu.memref_slice %arg8[%mul3A_16] : memref<512xi32, #tpu.memory_space<vmem>> -> memref<256xi32, #tpu.memory_space<vmem>>
      %dma_wait3A_24 = arith.constant 0 : i32
      %dma_wait3A_25 = arith.constant 0 : i32
      %dma_wait3A_26 = tpu.memref_slice %arg2[%dma_wait3A_24, %dma_wait3A_25] : memref<502272x128xf32, #tpu.memory_space<hbm>> -> memref<502272x128xf32, #tpu.memory_space<hbm>>
      tpu.wait_indirect_dma semaphore(%arg12 : memref<!tpu.dma_semaphore, #tpu.memory_space<semaphore_mem>>) src(%dma_wait3A_26 : memref<502272x128xf32, #tpu.memory_space<hbm>>) dst(%arg10 : memref<256x128xf32, #tpu.memory_space<vmem>>)
      %dma_wait3A_27 = tpu.memref_slice %arg9[%mul3A_16] : memref<512xi32, #tpu.memory_space<vmem>> -> memref<256xi32, #tpu.memory_space<vmem>>
      %dma_wait3A_28 = arith.constant 0 : i32
      %dma_wait3A_29 = arith.constant 0 : i32
      %dma_wait3A_30 = tpu.memref_slice %arg3[%dma_wait3A_28, %dma_wait3A_29] : memref<502272x128xf32, #tpu.memory_space<hbm>> -> memref<502272x128xf32, #tpu.memory_space<hbm>>
      tpu.wait_indirect_dma semaphore(%arg13 : memref<!tpu.dma_semaphore, #tpu.memory_space<semaphore_mem>>) src(%dma_wait3A_30 : memref<502272x128xf32, #tpu.memory_space<hbm>>) dst(%arg11 : memref<256x128xf32, #tpu.memory_space<vmem>>)
      %add3A_31 = arith.addi %mul3A_2, %mul3A_16 : i32
      "tpu.region"() ({
        %run_scoped3A = tpu.sem_alloc : memref<!tpu.dma_semaphore, #tpu.memory_space<semaphore_mem>>
        %dma_start3A_32 = arith.constant 0 : i32
        %dma_start3A_33 = tpu.memref_slice %arg6[%add3A_31, %dma_start3A_32] : memref<16384x128xf32, #tpu.memory_space<hbm>> -> memref<256x128xf32, #tpu.memory_space<hbm>>
        %dma_start3A_34 = arith.constant 0 : i32
        %dma_start3A_35 = tpu.memref_slice %arg6[%add3A_31, %dma_start3A_34] : memref<16384x128xf32, #tpu.memory_space<hbm>> -> memref<256x128xf32, #tpu.memory_space<hbm>>
        tpu.enqueue_dma source(%arg10 : memref<256x128xf32, #tpu.memory_space<vmem>>) target(%dma_start3A_35 : memref<256x128xf32, #tpu.memory_space<hbm>>) target_semaphore(%run_scoped3A : memref<!tpu.dma_semaphore, #tpu.memory_space<semaphore_mem>>)
        %dma_wait3A_36 = arith.constant 0 : i32
        %dma_wait3A_37 = tpu.memref_slice %arg6[%add3A_31, %dma_wait3A_36] : memref<16384x128xf32, #tpu.memory_space<hbm>> -> memref<256x128xf32, #tpu.memory_space<hbm>>
        %dma_wait3A_38 = arith.constant 0 : i32
        %dma_wait3A_39 = tpu.memref_slice %arg6[%add3A_31, %dma_wait3A_38] : memref<16384x128xf32, #tpu.memory_space<hbm>> -> memref<256x128xf32, #tpu.memory_space<hbm>>
        tpu.wait_dma2 semaphore(%run_scoped3A : memref<!tpu.dma_semaphore, #tpu.memory_space<semaphore_mem>>) src(%arg10 : memref<256x128xf32, #tpu.memory_space<vmem>>) dst(%dma_wait3A_39 : memref<256x128xf32, #tpu.memory_space<hbm>>)
        tpu.yield
      }) : () -> ()
      "tpu.region"() ({
        %run_scoped3A = tpu.sem_alloc : memref<!tpu.dma_semaphore, #tpu.memory_space<semaphore_mem>>
        %dma_start3A_32 = arith.constant 0 : i32
        %dma_start3A_33 = tpu.memref_slice %arg7[%add3A_31, %dma_start3A_32] : memref<16384x128xf32, #tpu.memory_space<hbm>> -> memref<256x128xf32, #tpu.memory_space<hbm>>
        %dma_start3A_34 = arith.constant 0 : i32
        %dma_start3A_35 = tpu.memref_slice %arg7[%add3A_31, %dma_start3A_34] : memref<16384x128xf32, #tpu.memory_space<hbm>> -> memref<256x128xf32, #tpu.memory_space<hbm>>
        tpu.enqueue_dma source(%arg11 : memref<256x128xf32, #tpu.memory_space<vmem>>) target(%dma_start3A_35 : memref<256x128xf32, #tpu.memory_space<hbm>>) target_semaphore(%run_scoped3A : memref<!tpu.dma_semaphore, #tpu.memory_space<semaphore_mem>>)
        %dma_wait3A_36 = arith.constant 0 : i32
        %dma_wait3A_37 = tpu.memref_slice %arg7[%add3A_31, %dma_wait3A_36] : memref<16384x128xf32, #tpu.memory_space<hbm>> -> memref<256x128xf32, #tpu.memory_space<hbm>>
        %dma_wait3A_38 = arith.constant 0 : i32
        %dma_wait3A_39 = tpu.memref_slice %arg7[%add3A_31, %dma_wait3A_38] : memref<16384x128xf32, #tpu.memory_space<hbm>> -> memref<256x128xf32, #tpu.memory_space<hbm>>
        tpu.wait_dma2 semaphore(%run_scoped3A : memref<!tpu.dma_semaphore, #tpu.memory_space<semaphore_mem>>) src(%arg11 : memref<256x128xf32, #tpu.memory_space<vmem>>) dst(%dma_wait3A_39 : memref<256x128xf32, #tpu.memory_space<hbm>>)
        tpu.yield
      }) : () -> ()
    }
    %scan3A_13 = arith.constant 2 : i32
    return
  }
}

module attributes {stable_mosaic.version = 14 : i64} {
  func.func @_repack_body(%arg0: i32, %arg1: memref<64x4608xf32, #tpu.memory_space<vmem>>, %arg2: memref<64x4608xf32, #tpu.memory_space<vmem>>, %arg3: memref<64x4608xf32, #tpu.memory_space<vmem>>, %arg4: memref<64x4608xf32, #tpu.memory_space<vmem>>, %arg5: memref<128x128xf32, #tpu.memory_space<vmem>>, %arg6: memref<4608x128xf32, #tpu.memory_space<vmem>>, %arg7: memref<4608x128xf32, #tpu.memory_space<vmem>>) attributes {dimension_semantics = [#tpu.dimension_semantics<parallel>], iteration_bounds = array<i64: 109>, scalar_prefetch = 0 : i64, scratch_operands = 0 : i64, tpu.core_type = #tpu.core_type<tc>, window_params = [{transform_indices = @transform_0, window_bounds = array<i64: 64, 4608>}, {transform_indices = @transform_1, window_bounds = array<i64: 64, 4608>}, {transform_indices = @transform_2, window_bounds = array<i64: 64, 4608>}, {transform_indices = @transform_3, window_bounds = array<i64: 64, 4608>}, {pipeline_mode = #tpu.pipeline_mode<synchronous>, transform_indices = @transform_4, window_bounds = array<i64: 128, 128>}, {transform_indices = @transform_5, window_bounds = array<i64: 4608, 128>}, {transform_indices = @transform_6, window_bounds = array<i64: 4608, 128>}]} {
    %get3A = arith.constant 0 : index
    %get3A_0 = arith.constant 0 : index
    %get3A_1 = vector.load %arg5[%get3A, %get3A_0] : memref<128x128xf32, #tpu.memory_space<vmem>>, vector<128x128xf32>
    %get3A_2 = arith.constant 0 : index
    %get3A_3 = arith.constant 0 : index
    %get3A_4 = vector.load %arg1[%get3A_2, %get3A_3] : memref<64x4608xf32, #tpu.memory_space<vmem>>, vector<64x4608xf32>
    %get3A_5 = arith.constant 0 : index
    %get3A_6 = arith.constant 0 : index
    %get3A_7 = vector.load %arg2[%get3A_5, %get3A_6] : memref<64x4608xf32, #tpu.memory_space<vmem>>, vector<64x4608xf32>
    %concatenate3A = tpu.concatenate %get3A_4, %get3A_7 in 0 : vector<64x4608xf32>, vector<64x4608xf32> -> vector<128x4608xf32>
    %dot_general3A = arith.constant dense<0.000000e+00> : vector<4608x128xf32>
    %dot_general3A_8 = tpu.matmul %concatenate3A, %get3A_1, %dot_general3A {dimension_numbers = #tpu.dot_dimension_numbers<[0], [0], [1], [1], [0, 1, 1, 1], [], []>, transpose_lhs_hint = false} : vector<128x4608xf32>, vector<128x128xf32>, vector<4608x128xf32> -> vector<4608x128xf32>
    %swap3A = arith.constant 0 : index
    %swap3A_9 = arith.constant 0 : index
    %swap3A_10 = vector.load %arg6[%swap3A, %swap3A_9] : memref<4608x128xf32, #tpu.memory_space<vmem>>, vector<4608x128xf32>
    tpu.vector_store %arg6[%swap3A, %swap3A_9], %dot_general3A_8 {strides = array<i32>} : memref<4608x128xf32, #tpu.memory_space<vmem>>, vector<4608x128xf32>,
    %get3A_11 = arith.constant 0 : index
    %get3A_12 = arith.constant 0 : index
    %get3A_13 = vector.load %arg3[%get3A_11, %get3A_12] : memref<64x4608xf32, #tpu.memory_space<vmem>>, vector<64x4608xf32>
    %get3A_14 = arith.constant 0 : index
    %get3A_15 = arith.constant 0 : index
    %get3A_16 = vector.load %arg4[%get3A_14, %get3A_15] : memref<64x4608xf32, #tpu.memory_space<vmem>>, vector<64x4608xf32>
    %concatenate3A_17 = tpu.concatenate %get3A_13, %get3A_16 in 0 : vector<64x4608xf32>, vector<64x4608xf32> -> vector<128x4608xf32>
    %dot_general3A_18 = arith.constant dense<0.000000e+00> : vector<4608x128xf32>
    %dot_general3A_19 = tpu.matmul %concatenate3A_17, %get3A_1, %dot_general3A_18 {dimension_numbers = #tpu.dot_dimension_numbers<[0], [0], [1], [1], [0, 1, 1, 1], [], []>, transpose_lhs_hint = false} : vector<128x4608xf32>, vector<128x128xf32>, vector<4608x128xf32> -> vector<4608x128xf32>
    %swap3A_20 = arith.constant 0 : index
    %swap3A_21 = arith.constant 0 : index
    %swap3A_22 = vector.load %arg7[%swap3A_20, %swap3A_21] : memref<4608x128xf32, #tpu.memory_space<vmem>>, vector<4608x128xf32>
    tpu.vector_store %arg7[%swap3A_20, %swap3A_21], %dot_general3A_19 {strides = array<i32>} : memref<4608x128xf32, #tpu.memory_space<vmem>>, vector<4608x128xf32>,
    return
  }
  func.func @transform_0(%arg0: i32) -> (i32, i32) {
    %c0_i32 = arith.constant 0 : i32
    %c0_i32_0 = arith.constant 0 : i32
    return %c0_i32, %arg0 : i32, i32
  }
  func.func @transform_1(%arg0: i32) -> (i32, i32) {
    %add3A = arith.constant 109 : i32
    %add3A_0 = arith.addi %arg0, %add3A : i32
    %c0_i32 = arith.constant 0 : i32
    %c0_i32_1 = arith.constant 0 : i32
    return %c0_i32, %add3A_0 : i32, i32
  }
  func.func @transform_2(%arg0: i32) -> (i32, i32) {
    %c0_i32 = arith.constant 0 : i32
    %c0_i32_0 = arith.constant 0 : i32
    return %c0_i32, %arg0 : i32, i32
  }
  func.func @transform_3(%arg0: i32) -> (i32, i32) {
    %add3A = arith.constant 109 : i32
    %add3A_0 = arith.addi %arg0, %add3A : i32
    %c0_i32 = arith.constant 0 : i32
    %c0_i32_1 = arith.constant 0 : i32
    return %c0_i32, %add3A_0 : i32, i32
  }
  func.func @transform_4(%arg0: i32) -> (i32, i32) {
    %c0_i32 = arith.constant 0 : i32
    %c0_i32_0 = arith.constant 0 : i32
    %c0_i32_1 = arith.constant 0 : i32
    return %c0_i32, %c0_i32_0 : i32, i32
  }
  func.func @transform_5(%arg0: i32) -> (i32, i32) {
    %c0_i32 = arith.constant 0 : i32
    %c0_i32_0 = arith.constant 0 : i32
    return %arg0, %c0_i32 : i32, i32
  }
  func.func @transform_6(%arg0: i32) -> (i32, i32) {
    %c0_i32 = arith.constant 0 : i32
    %c0_i32_0 = arith.constant 0 : i32
    return %arg0, %c0_i32 : i32, i32
  }
}

module attributes {stable_mosaic.version = 14 : i64} {
  func.func @_mlp_body(%arg0: i32, %arg1: memref<8192x128xf32, #tpu.memory_space<vmem>>, %arg2: memref<8192x128xf32, #tpu.memory_space<vmem>>, %arg3: memref<8192x1xi32, #tpu.memory_space<vmem>>, %arg4: memref<8192x1xi32, #tpu.memory_space<vmem>>, %arg5: memref<1x128xf32, #tpu.memory_space<vmem>>, %arg6: memref<1x128xf32, #tpu.memory_space<vmem>>, %arg7: memref<128x128xf32, #tpu.memory_space<vmem>>, %arg8: memref<1x128xf32, #tpu.memory_space<vmem>>, %arg9: memref<128x64xf32, #tpu.memory_space<vmem>>, %arg10: memref<1x64xf32, #tpu.memory_space<vmem>>, %arg11: memref<64x2xf32, #tpu.memory_space<vmem>>, %arg12: memref<1x2xf32, #tpu.memory_space<vmem>>, %arg13: memref<2x8192xf32, #tpu.memory_space<vmem>>) attributes {dimension_semantics = [#tpu.dimension_semantics<arbitrary>], iteration_bounds = array<i64: 2>, scalar_prefetch = 0 : i64, scratch_operands = 0 : i64, tpu.core_type = #tpu.core_type<tc>, window_params = [{transform_indices = @transform_0, window_bounds = array<i64: 8192, 128>}, {transform_indices = @transform_1, window_bounds = array<i64: 8192, 128>}, {transform_indices = @transform_2, window_bounds = array<i64: 8192, 1>}, {transform_indices = @transform_3, window_bounds = array<i64: 8192, 1>}, {pipeline_mode = #tpu.pipeline_mode<synchronous>, transform_indices = @transform_4, window_bounds = array<i64: 1, 128>}, {pipeline_mode = #tpu.pipeline_mode<synchronous>, transform_indices = @transform_5, window_bounds = array<i64: 1, 128>}, {pipeline_mode = #tpu.pipeline_mode<synchronous>, transform_indices = @transform_6, window_bounds = array<i64: 128, 128>}, {pipeline_mode = #tpu.pipeline_mode<synchronous>, transform_indices = @transform_7, window_bounds = array<i64: 1, 128>}, {pipeline_mode = #tpu.pipeline_mode<synchronous>, transform_indices = @transform_8, window_bounds = array<i64: 128, 64>}, {pipeline_mode = #tpu.pipeline_mode<synchronous>, transform_indices = @transform_9, window_bounds = array<i64: 1, 64>}, {pipeline_mode = #tpu.pipeline_mode<synchronous>, transform_indices = @transform_10, window_bounds = array<i64: 64, 2>}, {pipeline_mode = #tpu.pipeline_mode<synchronous>, transform_indices = @transform_11, window_bounds = array<i64: 1, 2>}, {transform_indices = @transform_12, window_bounds = array<i64: 2, 8192>}]} {
    %get3A = arith.constant 0 : index
    %get3A_0 = arith.constant 0 : index
    %get3A_1 = vector.load %arg1[%get3A, %get3A_0] : memref<8192x128xf32, #tpu.memory_space<vmem>>, vector<8192x128xf32>
    %get3A_2 = arith.constant 0 : index
    %get3A_3 = arith.constant 0 : index
    %get3A_4 = vector.load %arg2[%get3A_2, %get3A_3] : memref<8192x128xf32, #tpu.memory_space<vmem>>, vector<8192x128xf32>
    %get3A_5 = arith.constant 0 : index
    %get3A_6 = arith.constant 0 : index
    %get3A_7 = vector.load %arg3[%get3A_5, %get3A_6] : memref<8192x1xi32, #tpu.memory_space<vmem>>, vector<8192x1xi32>
    %eq3A = arith.constant 1 : i32
    %eq3A_8 = vector.broadcast %eq3A : i32 to vector<8192x1xi32>
    %eq3A_9 = arith.cmpi eq, %get3A_7, %eq3A_8 : vector<8192x1xi32>
    %get3A_10 = arith.constant 0 : index
    %get3A_11 = arith.constant 0 : index
    %get3A_12 = vector.load %arg4[%get3A_10, %get3A_11] : memref<8192x1xi32, #tpu.memory_space<vmem>>, vector<8192x1xi32>
    %eq3A_13 = arith.constant 1 : i32
    %eq3A_14 = vector.broadcast %eq3A_13 : i32 to vector<8192x1xi32>
    %eq3A_15 = arith.cmpi eq, %get3A_12, %eq3A_14 : vector<8192x1xi32>
    %slice3A = vector.extract_strided_slice %get3A_1 {offsets = [0, 64], sizes = [8192, 64], strides = [1, 1]} : vector<8192x128xf32> to vector<8192x64xf32>
    %slice3A_16 = vector.extract_strided_slice %get3A_1 {offsets = [0, 0], sizes = [8192, 64], strides = [1, 1]} : vector<8192x128xf32> to vector<8192x64xf32>
    %broadcast_in_dim3A = vector.shape_cast %eq3A_9 : vector<8192x1xi1> to vector<8192x1xi1>
    %broadcast_in_dim3A_17 = vector.broadcast %broadcast_in_dim3A : vector<8192x1xi1> to vector<8192x64xi1>
    %select_n3A = arith.select %broadcast_in_dim3A_17, %slice3A, %slice3A_16 : vector<8192x64xi1>, vector<8192x64xf32>
    %slice3A_18 = vector.extract_strided_slice %get3A_4 {offsets = [0, 64], sizes = [8192, 64], strides = [1, 1]} : vector<8192x128xf32> to vector<8192x64xf32>
    %slice3A_19 = vector.extract_strided_slice %get3A_4 {offsets = [0, 0], sizes = [8192, 64], strides = [1, 1]} : vector<8192x128xf32> to vector<8192x64xf32>
    %broadcast_in_dim3A_20 = vector.shape_cast %eq3A_15 : vector<8192x1xi1> to vector<8192x1xi1>
    %broadcast_in_dim3A_21 = vector.broadcast %broadcast_in_dim3A_20 : vector<8192x1xi1> to vector<8192x64xi1>
    %select_n3A_22 = arith.select %broadcast_in_dim3A_21, %slice3A_18, %slice3A_19 : vector<8192x64xi1>, vector<8192x64xf32>
    %reduce_sum3A = arith.constant dense<0.000000e+00> : vector<8192xf32>
    %reduce_sum3A_23 = vector.multi_reduction <add>, %select_n3A, %reduce_sum3A [1] : vector<8192x64xf32> to vector<8192xf32>
    %broadcast_in_dim3A_24 = vector.shape_cast %reduce_sum3A_23 : vector<8192xf32> to vector<8192x1xf32>
    %reduce_sum3A_25 = arith.constant dense<0.000000e+00> : vector<8192xf32>
    %reduce_sum3A_26 = vector.multi_reduction <add>, %select_n3A_22, %reduce_sum3A_25 [1] : vector<8192x64xf32> to vector<8192xf32>
    %broadcast_in_dim3A_27 = vector.shape_cast %reduce_sum3A_26 : vector<8192xf32> to vector<8192x1xf32>
    %add3A = arith.addf %broadcast_in_dim3A_24, %broadcast_in_dim3A_27 : vector<8192x1xf32>
    %div3A = arith.constant 1.280000e+02 : f32
    %div3A_28 = vector.broadcast %div3A : f32 to vector<8192x1xf32>
    %div3A_29 = arith.divf %add3A, %div3A_28 : vector<8192x1xf32>
    %sub3A = vector.broadcast %div3A_29 : vector<8192x1xf32> to vector<8192x64xf32>
    %sub3A_30 = arith.subf %select_n3A, %sub3A : vector<8192x64xf32>
    %sub3A_31 = vector.broadcast %div3A_29 : vector<8192x1xf32> to vector<8192x64xf32>
    %sub3A_32 = arith.subf %select_n3A_22, %sub3A_31 : vector<8192x64xf32>
    %mul3A = arith.mulf %sub3A_30, %sub3A_30 : vector<8192x64xf32>
    %reduce_sum3A_33 = arith.constant dense<0.000000e+00> : vector<8192xf32>
    %reduce_sum3A_34 = vector.multi_reduction <add>, %mul3A, %reduce_sum3A_33 [1] : vector<8192x64xf32> to vector<8192xf32>
    %broadcast_in_dim3A_35 = vector.shape_cast %reduce_sum3A_34 : vector<8192xf32> to vector<8192x1xf32>
    %mul3A_36 = arith.mulf %sub3A_32, %sub3A_32 : vector<8192x64xf32>
    %reduce_sum3A_37 = arith.constant dense<0.000000e+00> : vector<8192xf32>
    %reduce_sum3A_38 = vector.multi_reduction <add>, %mul3A_36, %reduce_sum3A_37 [1] : vector<8192x64xf32> to vector<8192xf32>
    %broadcast_in_dim3A_39 = vector.shape_cast %reduce_sum3A_38 : vector<8192xf32> to vector<8192x1xf32>
    %add3A_40 = arith.addf %broadcast_in_dim3A_35, %broadcast_in_dim3A_39 : vector<8192x1xf32>
    %div3A_41 = arith.constant 1.280000e+02 : f32
    %div3A_42 = vector.broadcast %div3A_41 : f32 to vector<8192x1xf32>
    %div3A_43 = arith.divf %add3A_40, %div3A_42 : vector<8192x1xf32>
    %add3A_44 = arith.constant 9.99999974E-6 : f32
    %add3A_45 = vector.broadcast %add3A_44 : f32 to vector<8192x1xf32>
    %add3A_46 = arith.addf %div3A_43, %add3A_45 : vector<8192x1xf32>
    %rsqrt3A = math.rsqrt %add3A_46 : vector<8192x1xf32>
    %get3A_47 = arith.constant 0 : index
    %get3A_48 = arith.constant 0 : index
    %get3A_49 = vector.load %arg5[%get3A_47, %get3A_48] : memref<1x128xf32, #tpu.memory_space<vmem>>, vector<1x128xf32>
    %get3A_50 = arith.constant 0 : index
    %get3A_51 = arith.constant 0 : index
    %get3A_52 = vector.load %arg6[%get3A_50, %get3A_51] : memref<1x128xf32, #tpu.memory_space<vmem>>, vector<1x128xf32>
    %mul3A_53 = vector.broadcast %rsqrt3A : vector<8192x1xf32> to vector<8192x64xf32>
    %mul3A_54 = arith.mulf %sub3A_30, %mul3A_53 : vector<8192x64xf32>
    %slice3A_55 = vector.extract_strided_slice %get3A_49 {offsets = [0, 0], sizes = [1, 64], strides = [1, 1]} : vector<1x128xf32> to vector<1x64xf32>
    %mul3A_56 = vector.broadcast %slice3A_55 : vector<1x64xf32> to vector<8192x64xf32>
    %mul3A_57 = arith.mulf %mul3A_54, %mul3A_56 : vector<8192x64xf32>
    %slice3A_58 = vector.extract_strided_slice %get3A_52 {offsets = [0, 0], sizes = [1, 64], strides = [1, 1]} : vector<1x128xf32> to vector<1x64xf32>
    %add3A_59 = vector.broadcast %slice3A_58 : vector<1x64xf32> to vector<8192x64xf32>
    %add3A_60 = arith.addf %mul3A_57, %add3A_59 : vector<8192x64xf32>
    %mul3A_61 = vector.broadcast %rsqrt3A : vector<8192x1xf32> to vector<8192x64xf32>
    %mul3A_62 = arith.mulf %sub3A_32, %mul3A_61 : vector<8192x64xf32>
    %slice3A_63 = vector.extract_strided_slice %get3A_49 {offsets = [0, 64], sizes = [1, 64], strides = [1, 1]} : vector<1x128xf32> to vector<1x64xf32>
    %mul3A_64 = vector.broadcast %slice3A_63 : vector<1x64xf32> to vector<8192x64xf32>
    %mul3A_65 = arith.mulf %mul3A_62, %mul3A_64 : vector<8192x64xf32>
    %slice3A_66 = vector.extract_strided_slice %get3A_52 {offsets = [0, 64], sizes = [1, 64], strides = [1, 1]} : vector<1x128xf32> to vector<1x64xf32>
    %add3A_67 = vector.broadcast %slice3A_66 : vector<1x64xf32> to vector<8192x64xf32>
    %add3A_68 = arith.addf %mul3A_65, %add3A_67 : vector<8192x64xf32>
    %get3A_69 = arith.constant 0 : index
    %get3A_70 = arith.constant 0 : index
    %get3A_71 = vector.load %arg7[%get3A_69, %get3A_70] : memref<128x128xf32, #tpu.memory_space<vmem>>, vector<128x128xf32>
    %slice3A_72 = vector.extract_strided_slice %get3A_71 {offsets = [0, 0], sizes = [64, 128], strides = [1, 1]} : vector<128x128xf32> to vector<64x128xf32>
    %dot_general3A = arith.constant dense<0.000000e+00> : vector<8192x128xf32>
    %dot_general3A_73 = tpu.matmul %add3A_60, %slice3A_72, %dot_general3A {dimension_numbers = #tpu.dot_dimension_numbers<[1], [0], [0], [1], [0, 0, 1, 1], [], []>, transpose_lhs_hint = false} : vector<8192x64xf32>, vector<64x128xf32>, vector<8192x128xf32> -> vector<8192x128xf32>
    %slice3A_74 = vector.extract_strided_slice %get3A_71 {offsets = [64, 0], sizes = [64, 128], strides = [1, 1]} : vector<128x128xf32> to vector<64x128xf32>
    %dot_general3A_75 = arith.constant dense<0.000000e+00> : vector<8192x128xf32>
    %dot_general3A_76 = tpu.matmul %add3A_68, %slice3A_74, %dot_general3A_75 {dimension_numbers = #tpu.dot_dimension_numbers<[1], [0], [0], [1], [0, 0, 1, 1], [], []>, transpose_lhs_hint = false} : vector<8192x64xf32>, vector<64x128xf32>, vector<8192x128xf32> -> vector<8192x128xf32>
    %add3A_77 = arith.addf %dot_general3A_73, %dot_general3A_76 : vector<8192x128xf32>
    %get3A_78 = arith.constant 0 : index
    %get3A_79 = arith.constant 0 : index
    %get3A_80 = vector.load %arg8[%get3A_78, %get3A_79] : memref<1x128xf32, #tpu.memory_space<vmem>>, vector<1x128xf32>
    %add3A_81 = vector.broadcast %get3A_80 : vector<1x128xf32> to vector<8192x128xf32>
    %add3A_82 = arith.addf %add3A_77, %add3A_81 : vector<8192x128xf32>
    %max3A = arith.constant 0.000000e+00 : f32
    %max3A_83 = vector.broadcast %max3A : f32 to vector<8192x128xf32>
    %max3A_84 = arith.maximumf %add3A_82, %max3A_83 : vector<8192x128xf32>
    %get3A_85 = arith.constant 0 : index
    %get3A_86 = arith.constant 0 : index
    %get3A_87 = vector.load %arg9[%get3A_85, %get3A_86] : memref<128x64xf32, #tpu.memory_space<vmem>>, vector<128x64xf32>
    %dot_general3A_88 = arith.constant dense<0.000000e+00> : vector<8192x64xf32>
    %dot_general3A_89 = tpu.matmul %max3A_84, %get3A_87, %dot_general3A_88 {dimension_numbers = #tpu.dot_dimension_numbers<[1], [0], [0], [1], [0, 0, 1, 1], [], []>, transpose_lhs_hint = false} : vector<8192x128xf32>, vector<128x64xf32>, vector<8192x64xf32> -> vector<8192x64xf32>
    %get3A_90 = arith.constant 0 : index
    %get3A_91 = arith.constant 0 : index
    %get3A_92 = vector.load %arg10[%get3A_90, %get3A_91] : memref<1x64xf32, #tpu.memory_space<vmem>>, vector<1x64xf32>
    %add3A_93 = vector.broadcast %get3A_92 : vector<1x64xf32> to vector<8192x64xf32>
    %add3A_94 = arith.addf %dot_general3A_89, %add3A_93 : vector<8192x64xf32>
    %max3A_95 = arith.constant 0.000000e+00 : f32
    %max3A_96 = vector.broadcast %max3A_95 : f32 to vector<8192x64xf32>
    %max3A_97 = arith.maximumf %add3A_94, %max3A_96 : vector<8192x64xf32>
    %get3A_98 = arith.constant 0 : index
    %get3A_99 = arith.constant 0 : index
    %get3A_100 = vector.load %arg11[%get3A_98, %get3A_99] : memref<64x2xf32, #tpu.memory_space<vmem>>, vector<64x2xf32>
    %dot_general3A_101 = arith.constant dense<0.000000e+00> : vector<8192x2xf32>
    %dot_general3A_102 = tpu.matmul %max3A_97, %get3A_100, %dot_general3A_101 {dimension_numbers = #tpu.dot_dimension_numbers<[1], [0], [0], [1], [0, 0, 1, 1], [], []>, transpose_lhs_hint = false} : vector<8192x64xf32>, vector<64x2xf32>, vector<8192x2xf32> -> vector<8192x2xf32>
    %get3A_103 = arith.constant 0 : index
    %get3A_104 = arith.constant 0 : index
    %get3A_105 = vector.load %arg12[%get3A_103, %get3A_104] : memref<1x2xf32, #tpu.memory_space<vmem>>, vector<1x2xf32>
    %add3A_106 = vector.broadcast %get3A_105 : vector<1x2xf32> to vector<8192x2xf32>
    %add3A_107 = arith.addf %dot_general3A_102, %add3A_106 : vector<8192x2xf32>
    %logistic3A = arith.negf %add3A_107 : vector<8192x2xf32>
    %logistic3A_108 = math.exp %logistic3A : vector<8192x2xf32>
    %logistic3A_109 = arith.constant 1.000000e+00 : f32
    %logistic3A_110 = vector.broadcast %logistic3A_109 : f32 to vector<8192x2xf32>
    %logistic3A_111 = arith.addf %logistic3A_110, %logistic3A_108 : vector<8192x2xf32>
    %logistic3A_112 = arith.divf %logistic3A_110, %logistic3A_111 : vector<8192x2xf32>
    %transpose3A = tpu.transpose %logistic3A_112, [1, 0] : vector<8192x2xf32> -> vector<2x8192xf32>
    %swap3A = arith.constant 0 : index
    %swap3A_113 = arith.constant 0 : index
    %swap3A_114 = vector.load %arg13[%swap3A, %swap3A_113] : memref<2x8192xf32, #tpu.memory_space<vmem>>, vector<2x8192xf32>
    tpu.vector_store %arg13[%swap3A, %swap3A_113], %transpose3A {strides = array<i32>} : memref<2x8192xf32, #tpu.memory_space<vmem>>, vector<2x8192xf32>,
    return
  }
  func.func @transform_0(%arg0: i32) -> (i32, i32) {
    %c0_i32 = arith.constant 0 : i32
    %c0_i32_0 = arith.constant 0 : i32
    return %arg0, %c0_i32 : i32, i32
  }
  func.func @transform_1(%arg0: i32) -> (i32, i32) {
    %c0_i32 = arith.constant 0 : i32
    %c0_i32_0 = arith.constant 0 : i32
    return %arg0, %c0_i32 : i32, i32
  }
  func.func @transform_2(%arg0: i32) -> (i32, i32) {
    %c0_i32 = arith.constant 0 : i32
    %c0_i32_0 = arith.constant 0 : i32
    return %arg0, %c0_i32 : i32, i32
  }
  func.func @transform_3(%arg0: i32) -> (i32, i32) {
    %c0_i32 = arith.constant 0 : i32
    %c0_i32_0 = arith.constant 0 : i32
    return %arg0, %c0_i32 : i32, i32
  }
  func.func @transform_4(%arg0: i32) -> (i32, i32) {
    %c0_i32 = arith.constant 0 : i32
    %c0_i32_0 = arith.constant 0 : i32
    %c0_i32_1 = arith.constant 0 : i32
    return %c0_i32, %c0_i32_0 : i32, i32
  }
  func.func @transform_5(%arg0: i32) -> (i32, i32) {
    %c0_i32 = arith.constant 0 : i32
    %c0_i32_0 = arith.constant 0 : i32
    %c0_i32_1 = arith.constant 0 : i32
    return %c0_i32, %c0_i32_0 : i32, i32
  }
  func.func @transform_6(%arg0: i32) -> (i32, i32) {
    %c0_i32 = arith.constant 0 : i32
    %c0_i32_0 = arith.constant 0 : i32
    %c0_i32_1 = arith.constant 0 : i32
    return %c0_i32, %c0_i32_0 : i32, i32
  }
  func.func @transform_7(%arg0: i32) -> (i32, i32) {
    %c0_i32 = arith.constant 0 : i32
    %c0_i32_0 = arith.constant 0 : i32
    %c0_i32_1 = arith.constant 0 : i32
    return %c0_i32, %c0_i32_0 : i32, i32
  }
  func.func @transform_8(%arg0: i32) -> (i32, i32) {
    %c0_i32 = arith.constant 0 : i32
    %c0_i32_0 = arith.constant 0 : i32
    %c0_i32_1 = arith.constant 0 : i32
    return %c0_i32, %c0_i32_0 : i32, i32
  }
  func.func @transform_9(%arg0: i32) -> (i32, i32) {
    %c0_i32 = arith.constant 0 : i32
    %c0_i32_0 = arith.constant 0 : i32
    %c0_i32_1 = arith.constant 0 : i32
    return %c0_i32, %c0_i32_0 : i32, i32
  }
  func.func @transform_10(%arg0: i32) -> (i32, i32) {
    %c0_i32 = arith.constant 0 : i32
    %c0_i32_0 = arith.constant 0 : i32
    %c0_i32_1 = arith.constant 0 : i32
    return %c0_i32, %c0_i32_0 : i32, i32
  }
  func.func @transform_11(%arg0: i32) -> (i32, i32) {
    %c0_i32 = arith.constant 0 : i32
    %c0_i32_0 = arith.constant 0 : i32
    %c0_i32_1 = arith.constant 0 : i32
    return %c0_i32, %c0_i32_0 : i32, i32
  }
  func.func @transform_12(%arg0: i32) -> (i32, i32) {
    %c0_i32 = arith.constant 0 : i32
    %c0_i32_0 = arith.constant 0 : i32
    return %c0_i32, %arg0 : i32, i32
  }
}

</mosaic_0001>

<sc_bundles>
// kernel: kernel.5.cloned.1.call-start
scs
__scs_entry_jumppad:
0x0: {  	(pc) =	sbr.rel $0x88, $3  }
0x1: {  	(tag) =	ssettag $0x0;
	lr =	simm.s32 $0x1  }
0x2: {  	[smem:$0x3F96] =	sst lr;
	_ =	strace $0xD0000000  }
0x3: {  	_ = 	snop  }
0x4: {  	_ = 	snop  }
0x5: {  	_ = 	snop  }
0x6: {  	_ = 	snop  }
0x7: {  	_ = 	snop  }
__scs_overlays_trampoline_lowered:
0x8: {  	[smem:$0x3FA5] =	sst s0  }
0x9: {  	[smem:$0x3FA6] =	sst s1  }
0xa: {  	[smem:$0x3FA7] =	sst s2  }
0xb: {  	[smem:$0x3FA8] =	sst s3  }
0xc: {  	[smem:$0x3FA9] =	sst s4  }
0xd: {  	[smem:$0x3FAA] =	sst s5  }
0xe: {  	[smem:$0x3FAB] =	sst s6  }
0xf: {  	[smem:$0x3FAC] =	sst s7  }
0x10: {  	[smem:$0x3FAD] =	sst s8  }
0x11: {  	[smem:$0x3FAE] =	sst s9;
	s0 =	simm.s32 @!p0 $0x0  }
0x12: {  	s1 =	sld [smem:$0x3F94];
	s0 =	simm.s32 @p0 $0x1  }
0x13: {  	[smem:$0x3FAF] =	sst s0;
	s0 =	simm.s32 @!p1 $0x0  }
0x14: {  	s2 =	sld [smem:$0x3F93];
	s0 =	simm.s32 @p1 $0x1  }
0x15: {  	[smem:$0x3FB0] =	sst s0;
	s0 =	simm.s32 @!p2 $0x0  }
0x16: {  	s3 =	sld [smem:$0x3FDB];
	s0 =	simm.s32 @p2 $0x1  }
0x17: {  	s4 =	simm.s32 $0x1BF5;
	[smem:$0x3FB2] =	sst s0  }
0x18: {  	s0 =	sld [smem:$0x3F95];
	_ =	swait.ge [sflag:s4], $0x0  }
0x19: {  	s7 =	sld [smem:$0x3F96]  }
0x1a: {  	s8 =	sadd.s32 $0xFFFFE003, lr  }
0x1b: {  	s9 =	sadd.s32 $0xFFFFFEF7, lr;
	s5 =	simm.s32 $0xFFFFFFFF;
	p2 =	slt.u32 s8, $0xFFFFF086  }
0x1c: {  	p1 =	slt.u32 s9, $0xF7A;
	s5 =	simm.s32 @!p2 $0x0  }
0x1d: {  	s5 =	simm.s32 @p1 $0x1;
	p0 =	seq.s32 s7, s2  }
0x1e: {  	s7 =	smul.u32 @!p0 $0xF7A, s2;
	p2 =	seq.s32 @!p0 s5, $0x0  }
0x1f: {  	s9 =	smul.u32 $0xF7A, s1;
	s8 =	simm.s32 @!p0 $0x1BF5;
	p2 =	por !p2, p0  }
0x20: {  	[sflag:s8] =	ssyncset.s32 @!p0 $0xFFFFF086;
	s6 =	sadd.s32 @!p0 s3, s7;
	s7 =	simm.s32 @!p0 $0x108  }
0x21: {  	s3 =	sadd.s32 s3, s9;
	s6 =	sadd.s32 @!p0 $0x88, s6;
	s7 =	simm.s32 @p2 $0x1082  }
0x22: {  	[simem:s7], [sflag:s8] =	dma.local @!p0 [hbm:s6], $0xF7A  }
0x23: {  	s9 =	sor.u32 $0xD0000000, s2;
	s6 =	simm.s32 $0x108;
	_ =	swait.ge @!p0 [sflag:s8], $0x0  }
0x24: {  	s3 =	sadd.s32 $0x88, s3;
	s6 =	simm.s32 @!p1 $0x1082;
	[sflag:s4] =	ssyncset.s32 $0xFFFFF086  }
0x25: {  	[simem:s6], [sflag:s4] =	dma.local [hbm:s3], $0xF7A  }
0x26: {  	[smem:$0x3F96] =	sst s1;
	(tag) =	ssettag s2;
	_ =	strace s9  }
0x27: {  	s1 =	sld [smem:$0x3FA6]  }
0x28: {  	s2 =	sld [smem:$0x3FA7]  }
0x29: {  	s4 =	sld [smem:$0x3FA9]  }
0x2a: {  	p0 =	seq.s32 s5, $0x0;
	s5 =	sld [smem:$0x3FAA]  }
0x2b: {  	s6 =	sld [smem:$0x3FAB]  }
0x2c: {  	s7 =	sld [smem:$0x3FAC]  }
0x2d: {  	s3 =	simm.s32 $0x108;
	s8 =	sld [smem:$0x3FAD]  }
0x2e: {  	s3 =	simm.s32 @!p0 $0x1082;
	s9 =	sld [smem:$0x3FAE]  }
0x2f: {  	lr =	sadd.s32 s0, s3;
	s0 =	sld [smem:$0x3FA5]  }
0x30: {  	s3 =	sld [smem:$0x3FA8]  }
0x31: {  	[smem:$0x3FB1] =	sst s10  }
0x32: {  	s10 =	sld [smem:$0x3FAF];
	_ =	sdelay $0x3  }
0x33: {  	p0 =	seq.s32 s10, $0x1;
	s10 =	sld [smem:$0x3FB1];
	_ =	sdelay $0x3  }
0x34: {  	[smem:$0x3FB1] =	sst s10  }
0x35: {  	s10 =	sld [smem:$0x3FB0];
	_ =	sdelay $0x3  }
0x36: {  	p1 =	seq.s32 s10, $0x1;
	s10 =	sld [smem:$0x3FB1];
	_ =	sdelay $0x3  }
0x37: {  	[smem:$0x3FB1] =	sst s10  }
0x38: {  	s10 =	sld [smem:$0x3FB2]  }
0x39: {  	_ = 	snop;
	(pc) =	sbr.ind lr, $3  }
0x3a: {  	_ = 	snop  }
0x3b: {  	_ = 	snop  }
0x3c: {  	p2 =	seq.s32 s10, $0x1;
	s10 =	sld [smem:$0x3FB1]  }
0x3d: {  	_ =	shalt  }
0x3e: {  	_ =	shalt  }
0x3f: {  	_ =	shalt  }
0x40: {  	_ =	shalt  }
0x41: {  	_ =	shalt  }
0x42: {  	_ =	shalt  }
0x43: {  	_ =	shalt  }
0x44: {  	_ =	shalt  }
0x45: {  	_ =	shalt  }
0x46: {  	_ =	shalt  }
0x47: {  	_ =	shalt  }
0x48: {  	_ =	shalt  }
0x49: {  	_ =	shalt  }
0x4a: {  	_ =	shalt  }
0x4b: {  	_ =	shalt  }
0x4c: {  	_ =	shalt  }
0x4d: {  	_ =	shalt  }
0x4e: {  	_ =	shalt  }
0x4f: {  	_ =	shalt  }
0x50: {  	_ =	shalt  }
0x51: {  	_ =	shalt  }
0x52: {  	_ =	shalt  }
0x53: {  	_ =	shalt  }
0x54: {  	_ =	shalt  }
0x55: {  	_ =	shalt  }
0x56: {  	_ =	shalt  }
0x57: {  	_ =	shalt  }
0x58: {  	_ =	shalt  }
0x59: {  	_ =	shalt  }
0x5a: {  	_ =	shalt  }
0x5b: {  	_ =	shalt  }
0x5c: {  	_ =	shalt  }
0x5d: {  	_ =	shalt  }
0x5e: {  	_ =	shalt  }
0x5f: {  	_ =	shalt  }
0x60: {  	_ =	shalt  }
0x61: {  	_ =	shalt  }
0x62: {  	_ =	shalt  }
0x63: {  	_ =	shalt  }
0x64: {  	_ =	shalt  }
0x65: {  	_ =	shalt  }
0x66: {  	_ =	shalt  }
0x67: {  	_ =	shalt  }
0x68: {  	_ =	shalt  }
0x69: {  	_ =	shalt  }
0x6a: {  	_ =	shalt  }
0x6b: {  	_ =	shalt  }
0x6c: {  	_ =	shalt  }
0x6d: {  	_ =	shalt  }
0x6e: {  	_ =	shalt  }
0x6f: {  	_ =	shalt  }
0x70: {  	_ =	shalt  }
0x71: {  	_ =	shalt  }
0x72: {  	_ =	shalt  }
0x73: {  	_ =	shalt  }
0x74: {  	_ =	shalt  }
0x75: {  	_ =	shalt  }
0x76: {  	_ =	shalt  }
0x77: {  	_ =	shalt  }
0x78: {  	_ =	shalt  }
0x79: {  	_ =	shalt  }
0x7a: {  	_ =	shalt  }
0x7b: {  	_ =	shalt  }
0x7c: {  	_ =	shalt  }
0x7d: {  	_ =	shalt  }
0x7e: {  	_ =	shalt  }
0x7f: {  	_ =	shalt  }
0x80: {  	_ =	shalt  }
0x81: {  	_ =	shalt  }
0x82: {  	_ =	shalt  }
0x83: {  	_ =	shalt  }
0x84: {  	_ =	shalt  }
0x85: {  	_ =	shalt  }
0x86: {  	_ =	shalt  }
0x87: {  	_ =	shalt  }
.Lfunc_end0:
.L_simem_size_0:
called_computation_lowered:
.L_overlay_start_0:
0x88: {  	s2 =	sld [smem:$0x3FD9]  }
0x89: {  	s3 =	sld [smem:$0x3FFE];
	_ =	sdelay $0x1  }
0x8a: {  	s1 =	srdreg.scid  }
0x8b: {  	s0 =	sand.u32 $0x1, s1  }
0x8c: {  	s17 =	sshll.u32 s0, $0xA;
	s2 =	sadd.s32 s3, s2  }
0x8d: {  	s2 =	sadd.s32 s2, s17  }
0x8e: {  	[smem:$0x3FBD] =	sst s2  }
0x8f: {  	_ = 	snop  }
0x90: {  	s2 =	sld [smem:$0x3FD0];
	(tm) =	ssettm $0x1  }
0x91: {  	s18 =	sld [smem:$0x3FFB];
	_ =	sdelay $0x3  }
0x92: {  	_ =	strace s18  }
0x93: {  	s3 =	sld [smem:$0x3FFC];
	_ =	sdelay $0x3  }
0x94: {  	_ =	strace s3  }
0x95: {  	s3 =	sld [smem:$0x3FFD];
	_ =	sdelay $0x3  }
0x96: {  	_ =	strace s3  }
0x97: {  	_ =	strace $0x8FFFFFFF  }
0x98: {  	s19 =	sld [smem:$0x3FDB];
	_ =	sdelay $0x1  }
0x99: {  	s4 =	simm.s32 $_scs_section_size  }
0x9a: {  	s5 =	simm.s32 $_size__tile_overlayer_lowered;
	s6 =	simm.s32 $_tile_overlayer_lowered  }
0x9b: {  	s22 =	simm.s32 $0x1BFF;
	s21 =	sshll.u32 s6, $0x1;
	s3 =	sadd.s32 s4, s19  }
0x9c: {  	s7 =	simm.s32 $0x0;
	s20 =	sshll.u32 s5, $0x1;
	s5 =	sadd.s32 s21, s3  }
0x9d: {  	[timem:s7], [sflag:s22] =	dma.local [hbm:s5], s20  }
0x9e: {  	_ =	swait.ge [sflag:s22], s20  }
0x9f: {  	s4 =	ssub.s32 $0x0, s20;
	[sflag:s22] =	ssyncset.done $0x0  }
0xa0: {  	[sflag:s22] =	ssyncadd.s32 s4;
	_ =	sdelay $0x1  }
0xa1: {  	s23 =	simm.s32 $0x1B8B  }
0xa2: {  	_ =	swait.ge [sflag:s23], $0x1  }
0xa3: {  	[sflag:s23] =	ssyncset.done $0x0  }
0xa4: {  	s25 =	simm.s32 $0x1B8E;
	s24 =	sld [smem:$0x3FFE];
	[sflag:s23] =	ssyncadd.s32 $0xFFFFFFFF  }
0xa5: {  	s26 =	simm.s32 $execute0_lowered;
	[smem:$0x3FD2] =	sst s25  }
0xa6: {  	s5 =	sshll.u32 s26, $0x1;
	_ =	strace $0x80000046;
	[dreg:$0x1] =	wrdreg $0xFFFFFFFF  }
0xa7: {  	s28 =	simm.s32 $_size_execute0_lowered;
	s3 =	sadd.s32 s3, s5;
	[dreg:$0x0] =	wrdreg $0x0  }
0xa8: {  	s5 =	sshll.u32 s28, $0x1;
	[dreg:$0x2] =	wrdreg s3  }
0xa9: {  	[dreg:$0x3] =	wrdreg s5  }
0xaa: {  	[dreg:$0x4] =	wrdreg $0xC0  }
0xab: {  	_ =	task [dreg:s7], $0x5FFFF  }
0xac: {  	[dreg:$0x1] =	wrdreg $0xFFFFFFFF  }
0xad: {  	[dreg:$0x0] =	wrdreg $0x60  }
0xae: {  	[dreg:$0x2] =	wrdreg s24  }
0xaf: {  	[dreg:$0x3] =	wrdreg s2  }
0xb0: {  	[dreg:$0x4] =	wrdreg $0x9  }
0xb1: {  	_ =	task.clear_ibuf [dreg:s7], $0x5FFFF;
	_ =	strace $0x90000046  }
0xb2: {  	s29 =	simm.s32 $0x9;
	_ =	strace $0x80000048  }
0xb3: {  	_ =	swait.ge [sflag:s29], $0x1  }
0xb4: {  	[sflag:s29] =	ssyncadd.s32 $0xFFFFFFFF  }
0xb5: {  	_ =	strace $0x90000048  }
0xb6: {  	_ =	sfence  }
0xb7: {  	s30 =	sld [smem:$0x0];
	_ =	sdelay $0x2  }
0xb8: {  	s31 =	sshll.u32 s1, $0xD;
	s1 =	sshrl.u32 s1, $0x2  }
0xb9: {  	s3 =	sand.u32 $0x4000, s31;
	s1 =	sadd.s32 s1, s30  }
0xba: {  	s0 =	sor.u32 s3, s0;
	s1 =	sshll.u32 s1, $0x11  }
0xbb: {  	s0 =	sor.u32 s1, s0  }
0xbc: {  	s0 =	sadd.s32 $0x8F2B, s0  }
0xbd: {  	[sflag:s0] =	ssyncadd.remote.s32 $0x1  }
0xbe: {  	_ =	sfence.sel $0xFFFF  }
0xbf: {  	[dreg:$0x0] =	wrdreg $0xFFFFFFFF;
	(pc) =	sbr.abs _section_cstart, $3  }
0xc0: {  	[dreg:$0x1] =	wrdreg $0xFFFFFFFF  }
0xc1: {  	_ =	task.clear_ibuf [dreg:s7], $0x2FFFF;
	_ =	strace $0x9FFFFFFF  }
0xc2: {  	(tm) =	ssettm $0x7FFFFFFF  }
0xc3: {  	_ =	shalt  }
tec
execute0_lowered:
.L_overlay_start_1:
0x0: {  	(tag) =	ssettag $0x1  }
0x1: {  	s5 =	rddreg [dreg:$0x0]  }
0x2: {  	s6 =	rddreg [dreg:$0x1]  }
0x3: {  	s0 =	rddreg [dreg:$0x2]  }
0x4: {  	s3 =	srdreg.scid;
	s2 =	simm.s32 $0x0;
	s1 =	stileid.u32  }
0x5: {  	s14 =	simm.s32 $0x100;
	s15 =	simm.s32 $0x400;
	s16 =	simm.s32 $0x8400  }
0x6: {  	s17 =	simm.s32 $0x1;
	s18 =	simm.s32 $0x2;
	s19 =	simm.s32 $0x300  }
0x7: {  	s20 =	simm.s32 $0x0;
	s4 =	sand.u32 $0x1, s3;
	[smem:$0x7FF] =	sst s2  }
0x8: {  	s29 =	sshll.u32 s1, $0xA;
	s3 =	sadd.s32 $0x2E00, s5;
	s12 =	sadd.s32 $0xF56E00, s5  }
0x9: {  	s13 =	sadd.s32 $0xF96E00, s5;
	s7 =	sshll.u32 s4, $0x9;
	s9 =	ssub.s32 $0x2, s4  }
0xa: {  	_ =	strace $0x80000047;
	s7 =	sor.u32 s7, s29;
	s11 =	sshrl.u32 s9, $0x1  }
0xb: {  	s4 =	sadd.s32 $0x7ACE00, s5;
	s8 =	sshrl.u32 s7, $0x3;
	s9 =	ssub.s32 s9, s11  }
0xc: {  	s30 =	sshll.u32 s7, $0x4;
	s10 =	sadd.s32 s8, s5;
	s6 =	sadd.s32 s6, s8  }
0xd: {  	s7 =	smax.u32 s9, $0x1;
	s8 =	sadd.s32 s12, s30;
	s31 =	sor.u32 $0x1000, s30  }
0xe: {  	s9 =	sadd.s32 s13, s30;
	s5 =	sadd.s32 $0x2600, s10;
	s10 =	sadd.s32 s12, s31  }
0xf: {  	s11 =	sadd.s32 s13, s31;
	s12 =	simm.s32 $0x3;
	s13 =	simm.s32 $0x200  }
.LBB2_1:
0x10: {  	[tilespmem:s2], [sflag:$0x3] =	stream.linear.gather [hbm4b:s5+s2], $0x200, $0x38;
	[tilespmem:$0x10400] =	vst v63  }
0x11: {  	_ =	swait.ge [sflag:s12], $0x200  }
0x12: {  	[sflag:s12] =	ssyncset.done $0x0  }
0x13: {  	[sflag:s12] =	ssyncadd.s32 $0xFFFFFE00  }
0x14: {  	[tilespmem:s13], [sflag:$0x3] =	stream.linear.gather [hbm4b:s6+s2], $0x200, $0x38;
	[tilespmem:$0x10400] =	vst v63  }
0x15: {  	_ =	swait.ge [sflag:s12], $0x200  }
0x16: {  	[sflag:s12] =	ssyncset.done $0x0  }
0x17: {  	s21 =	simm.s32 $0x0;
	[sflag:s12] =	ssyncadd.s32 $0xFFFFFE00  }
0x18: {  	s22 =	simm.s32 $0x40;
	v0 =	vld [tilespmem:s21+$0x0]  }
.LBB2_2:
0x19: {  	p0 =	sne.s32 s22, $0x7C0;
	v1 =	vld [tilespmem:s21+$0x200];
	_ =	sdelay $0x2  }
.Ltmp0:
0x1a: {  	(pc) =	sbr.rel @p0 .LBB2_2-.Ltmp0, $4  }
0x1b: {  	vm0 =	vlt.s32 v0, $0x7AA00;
	v2 =	vadd.s32 $0xFFF85600, v0  }
0x1c: {  	v0 =	vsel vm0, v0, v2;
	vm0 =	vlt.s32 v1, $0x7AA00;
	v2 =	vadd.s32 $0xFFF85600, v1  }
0x1d: {  	s23 =	sshra.s32 s22, $0x2;
	[tilespmem:s21+$0x0] =	vst v0;
	v1 =	vsel vm0, v1, v2  }
0x1e: {  	s22 =	sadd.s32 $0x40, s22;
	v0 =	vld [tilespmem:s23+$0x0];
	[tilespmem:s21+$0x200] =	vst v1;
	s21 =	smov.u32 s23  }
0x1f: {  	v1 =	vld [tilespmem:s21+$0x200];
	_ =	sdelay $0x3  }
0x20: {  	vm0 =	vlt.s32 v0, $0x7AA00;
	v2 =	vadd.s32 $0xFFF85600, v0  }
0x21: {  	v0 =	vsel vm0, v0, v2;
	vm15 =	vlt.s32 v1, $0x7AA00;
	v62 =	vadd.s32 $0xFFF85600, v1  }
0x22: {  	[tilespmem:s21+$0x0] =	vst v0;
	v63 =	vsel vm15, v1, v62  }
0x23: {  	[tilespmem:s21+$0x200] =	vst v63  }
0x24: {  	[tilespmem:s15], [sflag:$0x1] =	stream.indirect.gather [hbm4b:s3+s14], $0x80, s2, s14, $0xb8;
	[tilespmem:$0x10400] =	vst v63  }
0x25: {  	_ = 	snop  }
0x26: {  	[tilespmem:s16], [sflag:$0x2] =	stream.indirect.gather [hbm4b:s4+s14], $0x80, s13, s14, $0xb8;
	[tilespmem:$0x10400] =	vst v63  }
0x27: {  	_ =	swait.ge [sflag:s17], $0x8000  }
0x28: {  	[sflag:s17] =	ssyncset.done $0x0  }
0x29: {  	[sflag:s17] =	ssyncadd.s32 $0xFFFF8000  }
0x2a: {  	_ =	swait.ge [sflag:s18], $0x8000  }
0x2b: {  	[sflag:s18] =	ssyncset.done $0x0  }
0x2c: {  	[sflag:s18] =	ssyncadd.s32 $0xFFFF8000  }
0x2d: {  	[hbm4b:s8+s2] =	stream.linear.scatter [tilespmem:s15], [sflag:$0x3], $0x8000, $0x38;
	[tilespmem:$0x10400] =	vst v63  }
0x2e: {  	_ =	swait.ge [sflag:s12], $0x8000  }
0x2f: {  	[sflag:s12] =	ssyncset.done $0x0  }
0x30: {  	[sflag:s12] =	ssyncadd.s32 $0xFFFF8000  }
0x31: {  	[hbm4b:s9+s2] =	stream.linear.scatter [tilespmem:s16], [sflag:$0x3], $0x8000, $0x38;
	[tilespmem:$0x10400] =	vst v63  }
0x32: {  	_ =	swait.ge [sflag:s12], $0x8000  }
0x33: {  	[sflag:s12] =	ssyncset.done $0x0  }
0x34: {  	[sflag:s12] =	ssyncadd.s32 $0xFFFF8000  }
0x35: {  	[tilespmem:s15], [sflag:$0x1] =	stream.indirect.gather [hbm4b:s3+s14], $0x80, s14, s14, $0xb8;
	[tilespmem:$0x10400] =	vst v63  }
0x36: {  	_ = 	snop  }
0x37: {  	[tilespmem:s16], [sflag:$0x2] =	stream.indirect.gather [hbm4b:s4+s14], $0x80, s19, s14, $0xb8;
	[tilespmem:$0x10400] =	vst v63  }
0x38: {  	_ =	swait.ge [sflag:s17], $0x8000  }
0x39: {  	[sflag:s17] =	ssyncset.done $0x0  }
0x3a: {  	[sflag:s17] =	ssyncadd.s32 $0xFFFF8000  }
0x3b: {  	_ =	swait.ge [sflag:s18], $0x8000  }
0x3c: {  	[sflag:s18] =	ssyncset.done $0x0  }
0x3d: {  	[sflag:s18] =	ssyncadd.s32 $0xFFFF8000  }
0x3e: {  	[hbm4b:s10+s2] =	stream.linear.scatter [tilespmem:s15], [sflag:$0x3], $0x8000, $0x38;
	[tilespmem:$0x10400] =	vst v63  }
0x3f: {  	s20 =	sadd.s32 $0x1, s20;
	_ =	swait.ge [sflag:s12], $0x8000  }
0x40: {  	p0 =	sne.s32 s20, s7;
	[sflag:s12] =	ssyncset.done $0x0  }
.Ltmp1:
0x41: {  	[sflag:s12] =	ssyncadd.s32 $0xFFFF8000;
	(pc) =	sbr.rel @p0 .LBB2_1-.Ltmp1, $4  }
0x42: {  	[hbm4b:s11+s2] =	stream.linear.scatter [tilespmem:s16], [sflag:$0x3], $0x8000, $0x38;
	[tilespmem:$0x10400] =	vst v63  }
0x43: {  	_ =	swait.ge [sflag:s12], $0x8000  }
0x44: {  	[sflag:s12] =	ssyncset.done $0x0  }
0x45: {  	[sflag:s12] =	ssyncadd.s32 $0xFFFF8000  }
0x46: {  	_ =	sfence.sel $0x180000  }
0x47: {  	[bflag:$0x0] =	sbarrier.arrive $0xFFFF  }
0x48: {  	p0 =	sne.s32 s1, $0x0;
	_ =	strace $0x90000047  }
0x49: {  	s0 =	sadd.s32 @!p0 $0x100000, s0;
	[bflag:$0x2] =	sbarrier.arrive $0xFFFF  }
0x4a: {  	[sflag:s0] =	ssyncadd.tile.s32 @!p0 $0x1;
	_ =	shalt  }
.Lfunc_end2:
_tile_overlayer_lowered:
.L_overlay_start_2:
0x4b: {  	(tag) =	ssettag $0x2  }
0x4c: {  	s0 =	rddreg [dreg:$0x0];
	s2 =	stileid.u32  }
0x4d: {  	s1 =	rddreg [dreg:$0x1];
	p0 =	sne.s32 s2, $0x0  }
0x4e: {  	s3 =	rddreg [dreg:$0x2];
	[bflag:$0x3] =	sbarrier.arrive $0xFFFF;
	s2 =	simm.s32 @!p0 $0x1C03  }
0x4f: {  	[timem:s3], [sflag:s2] =	dma.local @!p0 [hbm:s0], s1  }
0x50: {  	s0 =	simm.s32 @!p0 $0x3  }
0x51: {  	_ =	swait.ge @!p0 [sflag:s0], s1  }
0x52: {  	s1 =	ssub.s32 @!p0 $0x0, s1;
	[sflag:s0] =	ssyncset.done @!p0 $0x0  }
0x53: {  	[sflag:s0] =	ssyncadd.s32 @!p0 s1  }
0x54: {  	[bflag:$0x3] =	sbarrier.arrive $0xFFFF  }
0x55: {  	_ =	shalt  }

</sc_bundles>
